<compile_context>
chip_gen: v7x
topology: tpu7x:2x2x1
jax: 0.10.2.dev20260603
libtpu: 0.0.44.dev20260713+nightly
codegen_flags: <defaults>
</compile_context>

<pallas_src>
import functools

import jax
import jax.numpy as jnp
from jax import lax
from jax.experimental import pallas as pl
from jax.experimental.pallas import tpu as pltpu
from jax.experimental.pallas import tpu_sc as plsc

_N = 10000
_E = 320000
_D = 128
_G = 64

_NC = 2
_NS = 16
_NW = _NC * _NS
_EPW = _E // _NW
_C = 128
_NCH = 79
_EPAD = _NCH * _C
_DEAD = _N
_AGG_ROWS = 16 * 632
_DEG_LEN = 16 * 640
_DEG_OUT = 10240

_mesh = plsc.VectorSubcoreMesh(core_axis_name="c", subcore_axis_name="s")


@functools.partial(
    pl.kernel,
    mesh=_mesh,
    out_type=(
        jax.ShapeDtypeStruct((_NC, _N, _D), jnp.float32),
        jax.ShapeDtypeStruct((_NC, _DEG_OUT), jnp.float32),
    ),
    scratch_types=[
        pltpu.VMEM((_NCH, _C), jnp.int32),
        pltpu.VMEM((_NCH, _C), jnp.int32),
        pltpu.VMEM((_C, _D), jnp.float32),
        pltpu.VMEM((_C,), jnp.float32),
        pltpu.VMEM_SHARED((_AGG_ROWS, _D), jnp.float32),
        pltpu.VMEM_SHARED((_DEG_LEN,), jnp.float32),
        pltpu.SemaphoreType.DMA,
    ],
)
def _edge_aggregate_sc(x_hbm, src_hbm, dst_hbm, z2_hbm, z1_hbm, ones_hbm,
                       agg_out, deg_out,
                       sidx, didx, rows0, ones_v,
                       agg_sh, deg_sh, sem0):
    cid = lax.axis_index("c")
    sid = lax.axis_index("s")
    wid = cid * _NS + sid

    pltpu.sync_copy(src_hbm.at[wid], sidx)
    pltpu.sync_copy(dst_hbm.at[wid], didx)
    pltpu.sync_copy(ones_hbm, ones_v)
    pltpu.sync_copy(z2_hbm.at[pl.ds(sid * 632, 632)],
                    agg_sh.at[pl.ds(sid * 632, 632)])
    pltpu.sync_copy(z1_hbm.at[pl.ds(sid * 640, 640)],
                    deg_sh.at[pl.ds(sid * 640, 640)])
    plsc.subcore_barrier()

    def chunk(j, carry):
        pltpu.async_copy(x_hbm.at[sidx.at[j]], rows0, sem0).wait()
        pltpu.sync_copy(rows0, agg_sh.at[didx.at[j]], add=True)
        pltpu.sync_copy(ones_v, deg_sh.at[didx.at[j]], add=True)
        return carry

    lax.fori_loop(0, _NCH, chunk, 0)
    plsc.subcore_barrier()

    pltpu.sync_copy(agg_sh.at[pl.ds(sid * 624, 624)],
                    agg_out.at[cid, pl.ds(sid * 624, 624)])

    @pl.when(sid == 15)
    def _():
        pltpu.sync_copy(agg_sh.at[pl.ds(9984, 16)],
                        agg_out.at[cid, pl.ds(9984, 16)])

    @pl.when(sid < 10)
    def _():
        pltpu.sync_copy(deg_sh.at[pl.ds(sid * 1024, 1024)],
                        deg_out.at[cid, pl.ds(sid * 1024, 1024)])


_NB = 1000
_NBLK = _N // _NB


def _dense_tc(agg_ref, deg_ref, batch_ref, Wm_ref, bm_ref, Wo_ref, bo_ref,
              out_ref, sums_acc, counts_acc):
    i = pl.program_id(0)

    @pl.when(i == 0)
    def _():
        sums_acc[...] = jnp.zeros_like(sums_acc)
        counts_acc[...] = jnp.zeros_like(counts_acc)

    agg = agg_ref[0] + agg_ref[1]
    deg = deg_ref[0, 0, 0, :] + deg_ref[1, 0, 0, :]
    scale = 1.0 / jnp.maximum(deg, 1.0)
    nodes = jnp.maximum(
        (agg * scale[:, None]) @ Wm_ref[...] + bm_ref[...], 0.0)
    b = batch_ref[0, 0, :]
    onehot = (b[:, None] == lax.broadcasted_iota(jnp.int32, (1, _G), 1)
              ).astype(jnp.float32)
    sums_acc[...] += lax.dot_general(
        onehot, nodes, (((0,), (0,)), ((), ())),
        preferred_element_type=jnp.float32)
    counts_acc[...] += lax.dot_general(
        onehot, jnp.ones((_NB, 1), jnp.float32), (((0,), (0,)), ((), ())),
        preferred_element_type=jnp.float32)

    @pl.when(i == _NBLK - 1)
    def _():
        pooled = sums_acc[...] / jnp.maximum(counts_acc[...], 1.0)
        out_ref[...] = (jnp.dot(pooled, Wo_ref[...],
                                preferred_element_type=jnp.float32)
                        + bo_ref[...])


def kernel(x, edge_index, batch, W_msg, b_msg, W_out, b_out):
    src = edge_index[0].reshape(_NW, _EPW)
    dst = edge_index[1].reshape(_NW, _EPW)
    src_p = jnp.pad(src, ((0, 0), (0, _EPAD - _EPW))).reshape(_NW, _NCH, _C)
    dst_p = jnp.pad(dst, ((0, 0), (0, _EPAD - _EPW)),
                    constant_values=_DEAD).reshape(_NW, _NCH, _C)
    z2 = jnp.zeros((_AGG_ROWS, _D), jnp.float32)
    z1 = jnp.zeros((_DEG_LEN,), jnp.float32)
    ones = jnp.ones((_C,), jnp.float32)
    agg_p, deg_p = _edge_aggregate_sc(x, src_p, dst_p, z2, z1, ones)

    out = pl.pallas_call(
        _dense_tc,
        grid=(_NBLK,),
        in_specs=[
            pl.BlockSpec((_NC, _NB, _D), lambda i: (0, i, 0)),
            pl.BlockSpec((_NC, 1, 1, _NB), lambda i: (0, i, 0, 0)),
            pl.BlockSpec((1, 1, _NB), lambda i: (i, 0, 0)),
            pl.BlockSpec((_D, _D), lambda i: (0, 0)),
            pl.BlockSpec((1, _D), lambda i: (0, 0)),
            pl.BlockSpec((_D, 1), lambda i: (0, 0)),
            pl.BlockSpec((1, 1), lambda i: (0, 0)),
        ],
        out_specs=pl.BlockSpec((_G, 1), lambda i: (0, 0)),
        out_shape=jax.ShapeDtypeStruct((_G, 1), jnp.float32),
        scratch_shapes=[
            pltpu.VMEM((_G, _D), jnp.float32),
            pltpu.VMEM((_G, 1), jnp.float32),
        ],
    )(agg_p, deg_p[:, :_N].reshape(_NC, _NBLK, 1, _NB), batch.reshape(_NBLK, 1, _NB),
      W_msg, b_msg.reshape(1, _D), W_out, b_out.reshape(1, 1))
    return out.reshape(-1)

# --- scband reference (transcript-rebuilt; emitter-appended) ---
"""Pipeline reference for scband-simple-gnn-48352741819005 (READ-ONLY COPY).

The authoritative reference and input builder live on the scoring server;
editing this copy changes nothing except your own understanding.
"""

import jax, jax.numpy as jnp
import numpy as np

N = 10000
E = 320000
D = 128
G = 64

def setup_inputs(seed: int = 0) -> dict:
    key = jax.random.key(seed)
    k1, k2, k3, k4, k5, k6, k7 = jax.random.split(key, 7)
    x = jax.random.normal(k1, (N, D), dtype=jnp.float32)
    edge_index = jax.random.randint(k2, (2, E), 0, N, dtype=jnp.int32)
    batch = jnp.sort(jax.random.randint(k3, (N,), 0, G, dtype=jnp.int32))
    # message-passing layer params (model_message: mean-aggregate GCN-style layer)
    W_msg = jax.random.normal(k4, (D, D), dtype=jnp.float32) / np.sqrt(D)
    b_msg = jnp.zeros((D,), dtype=jnp.float32)
    # lin_out params (input_pool_size=128 -> output_size=1)
    W_out = jax.random.normal(k5, (D, 1), dtype=jnp.float32) / np.sqrt(D)
    b_out = jnp.zeros((1,), dtype=jnp.float32)
    return {"x": x, "edge_index": edge_index, "batch": batch,
            "W_msg": W_msg, "b_msg": b_msg, "W_out": W_out, "b_out": b_out}

def reference(x, edge_index, batch, W_msg, b_msg, W_out, b_out):
    src = edge_index[0]
    dst = edge_index[1]
    # model_message: mean aggregation of neighbor features + linear + relu
    msg = jnp.take(x, src, axis=0)
    agg = jax.ops.segment_sum(msg, dst, num_segments=N)
    deg = jax.ops.segment_sum(jnp.ones((E,), dtype=x.dtype), dst, num_segments=N)
    agg = agg / jnp.clip(deg, 1.0)[:, None]
    nodes_out = jax.nn.relu(agg @ W_msg + b_msg)
    # global_mean_pool over graph ids in `batch`
    sums = jax.ops.segment_sum(nodes_out, batch, num_segments=G)
    counts = jax.ops.segment_sum(jnp.ones((N,), dtype=nodes_out.dtype), batch, num_segments=G)
    pooled = sums / jnp.clip(counts, 1.0)[:, None]
    # lin_out + view(-1)
    out = (pooled @ W_out + b_out).reshape(-1)
    return out

if __name__ == "__main__":
    import jax
    _d = setup_inputs()
    print(jax.jit(kernel)(*tuple(_d.values())))

</pallas_src>

<mosaic_0001>
#map = affine_map<(d0, d1) -> (0, 0)>
#map1 = affine_map<(d0, d1) -> (0, 0, 0)>
#map2 = affine_map<(d0, d1) -> (0)>
module attributes {stable_mosaic.version = 14 : i64} {
  func.func @_edge_aggregate_sc(%arg0: i32, %arg1: i32, %arg2: memref<10000x128xf32, #tpu.memory_space<hbm>>, %arg3: memref<32x79x128xi32, #tpu.memory_space<hbm>>, %arg4: memref<32x79x128xi32, #tpu.memory_space<hbm>>, %arg5: memref<10112x128xf32, #tpu.memory_space<hbm>>, %arg6: memref<10240xf32, #tpu.memory_space<hbm>>, %arg7: memref<128xf32, #tpu.memory_space<hbm>>, %arg8: memref<2x10000x128xf32, #tpu.memory_space<hbm>>, %arg9: memref<2x10240xf32, #tpu.memory_space<hbm>>, %arg10: memref<79x128xi32, #tpu.memory_space<vmem>>, %arg11: memref<79x128xi32, #tpu.memory_space<vmem>>, %arg12: memref<128x128xf32, #tpu.memory_space<vmem>>, %arg13: memref<128xf32, #tpu.memory_space<vmem>>, %arg14: memref<10112x128xf32, #tpu.memory_space<vmem_shared>>, %arg15: memref<10240xf32, #tpu.memory_space<vmem_shared>>, %arg16: memref<!tpu.dma_semaphore, #tpu.memory_space<semaphore_mem>>) attributes {dimension_semantics = [#tpu.dimension_semantics<core_parallel>, #tpu.dimension_semantics<subcore_parallel>], iteration_bounds = array<i64: 2, 16>, scalar_prefetch = 0 : i64, scratch_operands = 7 : i64, tpu.core_type = #tpu.core_type<sc_vector_subcore>, window_params = [{transform_indices = #map}, {transform_indices = #map1}, {transform_indices = #map1}, {transform_indices = #map}, {transform_indices = #map2}, {transform_indices = #map2}, {transform_indices = #map1}, {transform_indices = #map}]} {
    %mul3A = arith.constant 16 : i32
    %mul3A_0 = arith.muli %arg0, %mul3A : i32
    %add3A = arith.addi %mul3A_0, %arg1 : i32
    "tpu.region"() ({
      %run_scoped3A = tpu.sem_alloc : memref<!tpu.dma_semaphore, #tpu.memory_space<semaphore_mem>>
      %dma_start3A = arith.constant 0 : i32
      %dma_start3A_25 = arith.constant 0 : i32
      %dma_start3A_26 = tpu.memref_slice %arg3[%add3A, %dma_start3A, %dma_start3A_25] : memref<32x79x128xi32, #tpu.memory_space<hbm>> -> memref<1x79x128xi32, #tpu.memory_space<hbm>>
      %dma_start3A_27 = tpu.memref_squeeze %dma_start3A_26 : memref<1x79x128xi32, #tpu.memory_space<hbm>> -> memref<79x128xi32, #tpu.memory_space<hbm>>
      %dma_start3A_28 = arith.constant 0 : i32
      %dma_start3A_29 = arith.constant 0 : i32
      %dma_start3A_30 = tpu.memref_slice %arg3[%add3A, %dma_start3A_28, %dma_start3A_29] : memref<32x79x128xi32, #tpu.memory_space<hbm>> -> memref<1x79x128xi32, #tpu.memory_space<hbm>>
      %dma_start3A_31 = tpu.memref_squeeze %dma_start3A_30 : memref<1x79x128xi32, #tpu.memory_space<hbm>> -> memref<79x128xi32, #tpu.memory_space<hbm>>
      tpu.enqueue_dma source(%dma_start3A_31 : memref<79x128xi32, #tpu.memory_space<hbm>>) target(%arg10 : memref<79x128xi32, #tpu.memory_space<vmem>>) target_semaphore(%run_scoped3A : memref<!tpu.dma_semaphore, #tpu.memory_space<semaphore_mem>>)
      %dma_wait3A = arith.constant 0 : i32
      %dma_wait3A_32 = arith.constant 0 : i32
      %dma_wait3A_33 = tpu.memref_slice %arg3[%add3A, %dma_wait3A, %dma_wait3A_32] : memref<32x79x128xi32, #tpu.memory_space<hbm>> -> memref<1x79x128xi32, #tpu.memory_space<hbm>>
      %dma_wait3A_34 = tpu.memref_squeeze %dma_wait3A_33 : memref<1x79x128xi32, #tpu.memory_space<hbm>> -> memref<79x128xi32, #tpu.memory_space<hbm>>
      %dma_wait3A_35 = arith.constant 0 : i32
      %dma_wait3A_36 = arith.constant 0 : i32
      %dma_wait3A_37 = tpu.memref_slice %arg3[%add3A, %dma_wait3A_35, %dma_wait3A_36] : memref<32x79x128xi32, #tpu.memory_space<hbm>> -> memref<1x79x128xi32, #tpu.memory_space<hbm>>
      %dma_wait3A_38 = tpu.memref_squeeze %dma_wait3A_37 : memref<1x79x128xi32, #tpu.memory_space<hbm>> -> memref<79x128xi32, #tpu.memory_space<hbm>>
      tpu.wait_dma2 semaphore(%run_scoped3A : memref<!tpu.dma_semaphore, #tpu.memory_space<semaphore_mem>>) src(%dma_wait3A_38 : memref<79x128xi32, #tpu.memory_space<hbm>>) dst(%arg10 : memref<79x128xi32, #tpu.memory_space<vmem>>)
      tpu.yield
    }) : () -> ()
    "tpu.region"() ({
      %run_scoped3A = tpu.sem_alloc : memref<!tpu.dma_semaphore, #tpu.memory_space<semaphore_mem>>
      %dma_start3A = arith.constant 0 : i32
      %dma_start3A_25 = arith.constant 0 : i32
      %dma_start3A_26 = tpu.memref_slice %arg4[%add3A, %dma_start3A, %dma_start3A_25] : memref<32x79x128xi32, #tpu.memory_space<hbm>> -> memref<1x79x128xi32, #tpu.memory_space<hbm>>
      %dma_start3A_27 = tpu.memref_squeeze %dma_start3A_26 : memref<1x79x128xi32, #tpu.memory_space<hbm>> -> memref<79x128xi32, #tpu.memory_space<hbm>>
      %dma_start3A_28 = arith.constant 0 : i32
      %dma_start3A_29 = arith.constant 0 : i32
      %dma_start3A_30 = tpu.memref_slice %arg4[%add3A, %dma_start3A_28, %dma_start3A_29] : memref<32x79x128xi32, #tpu.memory_space<hbm>> -> memref<1x79x128xi32, #tpu.memory_space<hbm>>
      %dma_start3A_31 = tpu.memref_squeeze %dma_start3A_30 : memref<1x79x128xi32, #tpu.memory_space<hbm>> -> memref<79x128xi32, #tpu.memory_space<hbm>>
      tpu.enqueue_dma source(%dma_start3A_31 : memref<79x128xi32, #tpu.memory_space<hbm>>) target(%arg11 : memref<79x128xi32, #tpu.memory_space<vmem>>) target_semaphore(%run_scoped3A : memref<!tpu.dma_semaphore, #tpu.memory_space<semaphore_mem>>)
      %dma_wait3A = arith.constant 0 : i32
      %dma_wait3A_32 = arith.constant 0 : i32
      %dma_wait3A_33 = tpu.memref_slice %arg4[%add3A, %dma_wait3A, %dma_wait3A_32] : memref<32x79x128xi32, #tpu.memory_space<hbm>> -> memref<1x79x128xi32, #tpu.memory_space<hbm>>
      %dma_wait3A_34 = tpu.memref_squeeze %dma_wait3A_33 : memref<1x79x128xi32, #tpu.memory_space<hbm>> -> memref<79x128xi32, #tpu.memory_space<hbm>>
      %dma_wait3A_35 = arith.constant 0 : i32
      %dma_wait3A_36 = arith.constant 0 : i32
      %dma_wait3A_37 = tpu.memref_slice %arg4[%add3A, %dma_wait3A_35, %dma_wait3A_36] : memref<32x79x128xi32, #tpu.memory_space<hbm>> -> memref<1x79x128xi32, #tpu.memory_space<hbm>>
      %dma_wait3A_38 = tpu.memref_squeeze %dma_wait3A_37 : memref<1x79x128xi32, #tpu.memory_space<hbm>> -> memref<79x128xi32, #tpu.memory_space<hbm>>
      tpu.wait_dma2 semaphore(%run_scoped3A : memref<!tpu.dma_semaphore, #tpu.memory_space<semaphore_mem>>) src(%dma_wait3A_38 : memref<79x128xi32, #tpu.memory_space<hbm>>) dst(%arg11 : memref<79x128xi32, #tpu.memory_space<vmem>>)
      tpu.yield
    }) : () -> ()
    "tpu.region"() ({
      %run_scoped3A = tpu.sem_alloc : memref<!tpu.dma_semaphore, #tpu.memory_space<semaphore_mem>>
      tpu.enqueue_dma source(%arg7 : memref<128xf32, #tpu.memory_space<hbm>>) target(%arg13 : memref<128xf32, #tpu.memory_space<vmem>>) target_semaphore(%run_scoped3A : memref<!tpu.dma_semaphore, #tpu.memory_space<semaphore_mem>>)
      tpu.wait_dma2 semaphore(%run_scoped3A : memref<!tpu.dma_semaphore, #tpu.memory_space<semaphore_mem>>) src(%arg7 : memref<128xf32, #tpu.memory_space<hbm>>) dst(%arg13 : memref<128xf32, #tpu.memory_space<vmem>>)
      tpu.yield
    }) : () -> ()
    %mul3A_1 = arith.constant 632 : i32
    %mul3A_2 = arith.muli %arg1, %mul3A_1 : i32
    %mul3A_3 = arith.constant 632 : i32
    %mul3A_4 = arith.muli %arg1, %mul3A_3 : i32
    "tpu.region"() ({
      %run_scoped3A = tpu.sem_alloc : memref<!tpu.dma_semaphore, #tpu.memory_space<semaphore_mem>>
      %dma_start3A = arith.constant 0 : i32
      %dma_start3A_25 = tpu.memref_slice %arg14[%mul3A_4, %dma_start3A] : memref<10112x128xf32, #tpu.memory_space<vmem_shared>> -> memref<632x128xf32, #tpu.memory_space<vmem_shared>>
      %dma_start3A_26 = arith.constant 0 : i32
      %dma_start3A_27 = tpu.memref_slice %arg5[%mul3A_2, %dma_start3A_26] : memref<10112x128xf32, #tpu.memory_space<hbm>> -> memref<632x128xf32, #tpu.memory_space<hbm>>
      tpu.enqueue_dma source(%dma_start3A_27 : memref<632x128xf32, #tpu.memory_space<hbm>>) target(%dma_start3A_25 : memref<632x128xf32, #tpu.memory_space<vmem_shared>>) target_semaphore(%run_scoped3A : memref<!tpu.dma_semaphore, #tpu.memory_space<semaphore_mem>>)
      %dma_wait3A = arith.constant 0 : i32
      %dma_wait3A_28 = tpu.memref_slice %arg14[%mul3A_4, %dma_wait3A] : memref<10112x128xf32, #tpu.memory_space<vmem_shared>> -> memref<632x128xf32, #tpu.memory_space<vmem_shared>>
      %dma_wait3A_29 = arith.constant 0 : i32
      %dma_wait3A_30 = tpu.memref_slice %arg5[%mul3A_2, %dma_wait3A_29] : memref<10112x128xf32, #tpu.memory_space<hbm>> -> memref<632x128xf32, #tpu.memory_space<hbm>>
      tpu.wait_dma2 semaphore(%run_scoped3A : memref<!tpu.dma_semaphore, #tpu.memory_space<semaphore_mem>>) src(%dma_wait3A_30 : memref<632x128xf32, #tpu.memory_space<hbm>>) dst(%dma_wait3A_28 : memref<632x128xf32, #tpu.memory_space<vmem_shared>>)
      tpu.yield
    }) : () -> ()
    %mul3A_5 = arith.constant 640 : i32
    %mul3A_6 = arith.muli %arg1, %mul3A_5 : i32
    %mul3A_7 = arith.constant 640 : i32
    %mul3A_8 = arith.muli %arg1, %mul3A_7 : i32
    "tpu.region"() ({
      %run_scoped3A = tpu.sem_alloc : memref<!tpu.dma_semaphore, #tpu.memory_space<semaphore_mem>>
      %dma_start3A = tpu.memref_slice %arg15[%mul3A_8] : memref<10240xf32, #tpu.memory_space<vmem_shared>> -> memref<640xf32, #tpu.memory_space<vmem_shared>>
      %dma_start3A_25 = tpu.memref_slice %arg6[%mul3A_6] : memref<10240xf32, #tpu.memory_space<hbm>> -> memref<640xf32, #tpu.memory_space<hbm>>
      tpu.enqueue_dma source(%dma_start3A_25 : memref<640xf32, #tpu.memory_space<hbm>>) target(%dma_start3A : memref<640xf32, #tpu.memory_space<vmem_shared>>) target_semaphore(%run_scoped3A : memref<!tpu.dma_semaphore, #tpu.memory_space<semaphore_mem>>)
      %dma_wait3A = tpu.memref_slice %arg15[%mul3A_8] : memref<10240xf32, #tpu.memory_space<vmem_shared>> -> memref<640xf32, #tpu.memory_space<vmem_shared>>
      %dma_wait3A_26 = tpu.memref_slice %arg6[%mul3A_6] : memref<10240xf32, #tpu.memory_space<hbm>> -> memref<640xf32, #tpu.memory_space<hbm>>
      tpu.wait_dma2 semaphore(%run_scoped3A : memref<!tpu.dma_semaphore, #tpu.memory_space<semaphore_mem>>) src(%dma_wait3A_26 : memref<640xf32, #tpu.memory_space<hbm>>) dst(%dma_wait3A : memref<640xf32, #tpu.memory_space<vmem_shared>>)
      tpu.yield
    }) : () -> ()
    %barrier3A = arith.constant 0 : index
    tpu.barrier barrier_id(%barrier3A)
    %scan3A = arith.constant 0 : i32
    %scan3A_9 = arith.constant 0 : i32
    %scan3A_10 = arith.constant 79 : i32
    %scan3A_11 = arith.addi %scan3A_9, %scan3A_10 : i32
    %scan3A_12 = arith.constant 1 : i32
    scf.for %scan3A_25 = %scan3A_9 to %scan3A_11 step %scan3A_12  : i32 {
      %dma_start3A = arith.constant 0 : i32
      %dma_start3A_26 = tpu.memref_slice %arg10[%scan3A_25, %dma_start3A] : memref<79x128xi32, #tpu.memory_space<vmem>> -> memref<1x128xi32, #tpu.memory_space<vmem>>
      %dma_start3A_27 = tpu.memref_squeeze %dma_start3A_26 : memref<1x128xi32, #tpu.memory_space<vmem>> -> memref<128xi32, #tpu.memory_space<vmem>>
      %dma_start3A_28 = arith.constant 0 : i32
      %dma_start3A_29 = arith.constant 0 : i32
      %dma_start3A_30 = tpu.memref_slice %arg2[%dma_start3A_28, %dma_start3A_29] : memref<10000x128xf32, #tpu.memory_space<hbm>> -> memref<10000x128xf32, #tpu.memory_space<hbm>>
      tpu.enqueue_indirect_dma source(%dma_start3A_30 : memref<10000x128xf32, #tpu.memory_space<hbm>>) target(%arg12 : memref<128x128xf32, #tpu.memory_space<vmem>>) offsets(%dma_start3A_27 : memref<128xi32, #tpu.memory_space<vmem>>) semaphore(%arg16 : memref<!tpu.dma_semaphore, #tpu.memory_space<semaphore_mem>>)
      %dma_wait3A = arith.constant 0 : i32
      %dma_wait3A_31 = tpu.memref_slice %arg10[%scan3A_25, %dma_wait3A] : memref<79x128xi32, #tpu.memory_space<vmem>> -> memref<1x128xi32, #tpu.memory_space<vmem>>
      %dma_wait3A_32 = tpu.memref_squeeze %dma_wait3A_31 : memref<1x128xi32, #tpu.memory_space<vmem>> -> memref<128xi32, #tpu.memory_space<vmem>>
      %dma_wait3A_33 = arith.constant 0 : i32
      %dma_wait3A_34 = arith.constant 0 : i32
      %dma_wait3A_35 = tpu.memref_slice %arg2[%dma_wait3A_33, %dma_wait3A_34] : memref<10000x128xf32, #tpu.memory_space<hbm>> -> memref<10000x128xf32, #tpu.memory_space<hbm>>
      tpu.wait_indirect_dma semaphore(%arg16 : memref<!tpu.dma_semaphore, #tpu.memory_space<semaphore_mem>>) src(%dma_wait3A_35 : memref<10000x128xf32, #tpu.memory_space<hbm>>) dst(%arg12 : memref<128x128xf32, #tpu.memory_space<vmem>>)
      "tpu.region"() ({
        %run_scoped3A = tpu.sem_alloc : memref<!tpu.dma_semaphore, #tpu.memory_space<semaphore_mem>>
        %dma_start3A_36 = arith.constant 0 : i32
        %dma_start3A_37 = tpu.memref_slice %arg11[%scan3A_25, %dma_start3A_36] : memref<79x128xi32, #tpu.memory_space<vmem>> -> memref<1x128xi32, #tpu.memory_space<vmem>>
        %dma_start3A_38 = tpu.memref_squeeze %dma_start3A_37 : memref<1x128xi32, #tpu.memory_space<vmem>> -> memref<128xi32, #tpu.memory_space<vmem>>
        %dma_start3A_39 = arith.constant 0 : i32
        %dma_start3A_40 = arith.constant 0 : i32
        %dma_start3A_41 = tpu.memref_slice %arg14[%dma_start3A_39, %dma_start3A_40] : memref<10112x128xf32, #tpu.memory_space<vmem_shared>> -> memref<10112x128xf32, #tpu.memory_space<vmem_shared>>
        tpu.enqueue_indirect_dma source(%arg12 : memref<128x128xf32, #tpu.memory_space<vmem>>) target(%dma_start3A_41 : memref<10112x128xf32, #tpu.memory_space<vmem_shared>>) offsets(%dma_start3A_38 : memref<128xi32, #tpu.memory_space<vmem>>) semaphore(%run_scoped3A : memref<!tpu.dma_semaphore, #tpu.memory_space<semaphore_mem>>) {add = true}
        %dma_wait3A_42 = arith.constant 0 : i32
        %dma_wait3A_43 = tpu.memref_slice %arg11[%scan3A_25, %dma_wait3A_42] : memref<79x128xi32, #tpu.memory_space<vmem>> -> memref<1x128xi32, #tpu.memory_space<vmem>>
        %dma_wait3A_44 = tpu.memref_squeeze %dma_wait3A_43 : memref<1x128xi32, #tpu.memory_space<vmem>> -> memref<128xi32, #tpu.memory_space<vmem>>
        %dma_wait3A_45 = arith.constant 0 : i32
        %dma_wait3A_46 = arith.constant 0 : i32
        %dma_wait3A_47 = tpu.memref_slice %arg14[%dma_wait3A_45, %dma_wait3A_46] : memref<10112x128xf32, #tpu.memory_space<vmem_shared>> -> memref<10112x128xf32, #tpu.memory_space<vmem_shared>>
        tpu.wait_indirect_dma semaphore(%run_scoped3A : memref<!tpu.dma_semaphore, #tpu.memory_space<semaphore_mem>>) src(%arg12 : memref<128x128xf32, #tpu.memory_space<vmem>>) dst(%dma_wait3A_47 : memref<10112x128xf32, #tpu.memory_space<vmem_shared>>)
        tpu.yield
      }) : () -> ()
      "tpu.region"() ({
        %run_scoped3A = tpu.sem_alloc : memref<!tpu.dma_semaphore, #tpu.memory_space<semaphore_mem>>
        %dma_start3A_36 = arith.constant 0 : i32
        %dma_start3A_37 = tpu.memref_slice %arg11[%scan3A_25, %dma_start3A_36] : memref<79x128xi32, #tpu.memory_space<vmem>> -> memref<1x128xi32, #tpu.memory_space<vmem>>
        %dma_start3A_38 = tpu.memref_squeeze %dma_start3A_37 : memref<1x128xi32, #tpu.memory_space<vmem>> -> memref<128xi32, #tpu.memory_space<vmem>>
        %dma_start3A_39 = arith.constant 0 : i32
        %dma_start3A_40 = tpu.memref_slice %arg15[%dma_start3A_39] : memref<10240xf32, #tpu.memory_space<vmem_shared>> -> memref<10240xf32, #tpu.memory_space<vmem_shared>>
        tpu.enqueue_indirect_dma source(%arg13 : memref<128xf32, #tpu.memory_space<vmem>>) target(%dma_start3A_40 : memref<10240xf32, #tpu.memory_space<vmem_shared>>) offsets(%dma_start3A_38 : memref<128xi32, #tpu.memory_space<vmem>>) semaphore(%run_scoped3A : memref<!tpu.dma_semaphore, #tpu.memory_space<semaphore_mem>>) {add = true}
        %dma_wait3A_41 = arith.constant 0 : i32
        %dma_wait3A_42 = tpu.memref_slice %arg11[%scan3A_25, %dma_wait3A_41] : memref<79x128xi32, #tpu.memory_space<vmem>> -> memref<1x128xi32, #tpu.memory_space<vmem>>
        %dma_wait3A_43 = tpu.memref_squeeze %dma_wait3A_42 : memref<1x128xi32, #tpu.memory_space<vmem>> -> memref<128xi32, #tpu.memory_space<vmem>>
        %dma_wait3A_44 = arith.constant 0 : i32
        %dma_wait3A_45 = tpu.memref_slice %arg15[%dma_wait3A_44] : memref<10240xf32, #tpu.memory_space<vmem_shared>> -> memref<10240xf32, #tpu.memory_space<vmem_shared>>
        tpu.wait_indirect_dma semaphore(%run_scoped3A : memref<!tpu.dma_semaphore, #tpu.memory_space<semaphore_mem>>) src(%arg13 : memref<128xf32, #tpu.memory_space<vmem>>) dst(%dma_wait3A_45 : memref<10240xf32, #tpu.memory_space<vmem_shared>>)
        tpu.yield
      }) : () -> ()
    }
    %scan3A_13 = arith.constant 79 : i32
    %barrier3A_14 = arith.constant 0 : index
    tpu.barrier barrier_id(%barrier3A_14)
    %mul3A_15 = arith.constant 624 : i32
    %mul3A_16 = arith.muli %arg1, %mul3A_15 : i32
    %mul3A_17 = arith.constant 624 : i32
    %mul3A_18 = arith.muli %arg1, %mul3A_17 : i32
    "tpu.region"() ({
      %run_scoped3A = tpu.sem_alloc : memref<!tpu.dma_semaphore, #tpu.memory_space<semaphore_mem>>
      %dma_start3A = arith.constant 0 : i32
      %dma_start3A_25 = tpu.memref_slice %arg8[%arg0, %mul3A_18, %dma_start3A] : memref<2x10000x128xf32, #tpu.memory_space<hbm>> -> memref<1x624x128xf32, #tpu.memory_space<hbm>>
      %dma_start3A_26 = tpu.memref_squeeze %dma_start3A_25 : memref<1x624x128xf32, #tpu.memory_space<hbm>> -> memref<624x128xf32, #tpu.memory_space<hbm>>
      %dma_start3A_27 = arith.constant 0 : i32
      %dma_start3A_28 = tpu.memref_slice %arg14[%mul3A_16, %dma_start3A_27] : memref<10112x128xf32, #tpu.memory_space<vmem_shared>> -> memref<624x128xf32, #tpu.memory_space<vmem_shared>>
      tpu.enqueue_dma source(%dma_start3A_28 : memref<624x128xf32, #tpu.memory_space<vmem_shared>>) target(%dma_start3A_26 : memref<624x128xf32, #tpu.memory_space<hbm>>) target_semaphore(%run_scoped3A : memref<!tpu.dma_semaphore, #tpu.memory_space<semaphore_mem>>)
      %dma_wait3A = arith.constant 0 : i32
      %dma_wait3A_29 = tpu.memref_slice %arg8[%arg0, %mul3A_18, %dma_wait3A] : memref<2x10000x128xf32, #tpu.memory_space<hbm>> -> memref<1x624x128xf32, #tpu.memory_space<hbm>>
      %dma_wait3A_30 = tpu.memref_squeeze %dma_wait3A_29 : memref<1x624x128xf32, #tpu.memory_space<hbm>> -> memref<624x128xf32, #tpu.memory_space<hbm>>
      %dma_wait3A_31 = arith.constant 0 : i32
      %dma_wait3A_32 = tpu.memref_slice %arg14[%mul3A_16, %dma_wait3A_31] : memref<10112x128xf32, #tpu.memory_space<vmem_shared>> -> memref<624x128xf32, #tpu.memory_space<vmem_shared>>
      tpu.wait_dma2 semaphore(%run_scoped3A : memref<!tpu.dma_semaphore, #tpu.memory_space<semaphore_mem>>) src(%dma_wait3A_32 : memref<624x128xf32, #tpu.memory_space<vmem_shared>>) dst(%dma_wait3A_30 : memref<624x128xf32, #tpu.memory_space<hbm>>)
      tpu.yield
    }) : () -> ()
    %eq3A = arith.constant 15 : i32
    %eq3A_19 = arith.cmpi eq, %arg1, %eq3A : i32
    %convert_element_type3A = arith.extui %eq3A_19 : i1 to i32
    %cond3A = arith.constant 0 : i32
    %cond3A_20 = arith.cmpi ne, %convert_element_type3A, %cond3A : i32
    scf.if %cond3A_20 {
      "tpu.region"() ({
        %run_scoped3A = tpu.sem_alloc : memref<!tpu.dma_semaphore, #tpu.memory_space<semaphore_mem>>
        %dma_start3A = arith.constant 9984 : i32
        %dma_start3A_25 = arith.constant 0 : i32
        %dma_start3A_26 = tpu.memref_slice %arg8[%arg0, %dma_start3A, %dma_start3A_25] : memref<2x10000x128xf32, #tpu.memory_space<hbm>> -> memref<1x16x128xf32, #tpu.memory_space<hbm>>
        %dma_start3A_27 = tpu.memref_squeeze %dma_start3A_26 : memref<1x16x128xf32, #tpu.memory_space<hbm>> -> memref<16x128xf32, #tpu.memory_space<hbm>>
        %dma_start3A_28 = arith.constant 9984 : i32
        %dma_start3A_29 = arith.constant 0 : i32
        %dma_start3A_30 = tpu.memref_slice %arg14[%dma_start3A_28, %dma_start3A_29] : memref<10112x128xf32, #tpu.memory_space<vmem_shared>> -> memref<16x128xf32, #tpu.memory_space<vmem_shared>>
        tpu.enqueue_dma source(%dma_start3A_30 : memref<16x128xf32, #tpu.memory_space<vmem_shared>>) target(%dma_start3A_27 : memref<16x128xf32, #tpu.memory_space<hbm>>) target_semaphore(%run_scoped3A : memref<!tpu.dma_semaphore, #tpu.memory_space<semaphore_mem>>)
        %dma_wait3A = arith.constant 9984 : i32
        %dma_wait3A_31 = arith.constant 0 : i32
        %dma_wait3A_32 = tpu.memref_slice %arg8[%arg0, %dma_wait3A, %dma_wait3A_31] : memref<2x10000x128xf32, #tpu.memory_space<hbm>> -> memref<1x16x128xf32, #tpu.memory_space<hbm>>
        %dma_wait3A_33 = tpu.memref_squeeze %dma_wait3A_32 : memref<1x16x128xf32, #tpu.memory_space<hbm>> -> memref<16x128xf32, #tpu.memory_space<hbm>>
        %dma_wait3A_34 = arith.constant 9984 : i32
        %dma_wait3A_35 = arith.constant 0 : i32
        %dma_wait3A_36 = tpu.memref_slice %arg14[%dma_wait3A_34, %dma_wait3A_35] : memref<10112x128xf32, #tpu.memory_space<vmem_shared>> -> memref<16x128xf32, #tpu.memory_space<vmem_shared>>
        tpu.wait_dma2 semaphore(%run_scoped3A : memref<!tpu.dma_semaphore, #tpu.memory_space<semaphore_mem>>) src(%dma_wait3A_36 : memref<16x128xf32, #tpu.memory_space<vmem_shared>>) dst(%dma_wait3A_33 : memref<16x128xf32, #tpu.memory_space<hbm>>)
        tpu.yield
      }) : () -> ()
    } else {
    }
    %lt3A = arith.constant 10 : i32
    %lt3A_21 = arith.cmpi slt, %arg1, %lt3A : i32
    %convert_element_type3A_22 = arith.extui %lt3A_21 : i1 to i32
    %cond3A_23 = arith.constant 0 : i32
    %cond3A_24 = arith.cmpi ne, %convert_element_type3A_22, %cond3A_23 : i32
    scf.if %cond3A_24 {
      %mul3A_25 = arith.constant 1024 : i32
      %mul3A_26 = arith.muli %arg1, %mul3A_25 : i32
      %mul3A_27 = arith.constant 1024 : i32
      %mul3A_28 = arith.muli %arg1, %mul3A_27 : i32
      "tpu.region"() ({
        %run_scoped3A = tpu.sem_alloc : memref<!tpu.dma_semaphore, #tpu.memory_space<semaphore_mem>>
        %dma_start3A = tpu.memref_slice %arg9[%arg0, %mul3A_28] : memref<2x10240xf32, #tpu.memory_space<hbm>> -> memref<1x1024xf32, #tpu.memory_space<hbm>>
        %dma_start3A_29 = tpu.memref_squeeze %dma_start3A : memref<1x1024xf32, #tpu.memory_space<hbm>> -> memref<1024xf32, #tpu.memory_space<hbm>>
        %dma_start3A_30 = tpu.memref_slice %arg15[%mul3A_26] : memref<10240xf32, #tpu.memory_space<vmem_shared>> -> memref<1024xf32, #tpu.memory_space<vmem_shared>>
        tpu.enqueue_dma source(%dma_start3A_30 : memref<1024xf32, #tpu.memory_space<vmem_shared>>) target(%dma_start3A_29 : memref<1024xf32, #tpu.memory_space<hbm>>) target_semaphore(%run_scoped3A : memref<!tpu.dma_semaphore, #tpu.memory_space<semaphore_mem>>)
        %dma_wait3A = tpu.memref_slice %arg9[%arg0, %mul3A_28] : memref<2x10240xf32, #tpu.memory_space<hbm>> -> memref<1x1024xf32, #tpu.memory_space<hbm>>
        %dma_wait3A_31 = tpu.memref_squeeze %dma_wait3A : memref<1x1024xf32, #tpu.memory_space<hbm>> -> memref<1024xf32, #tpu.memory_space<hbm>>
        %dma_wait3A_32 = tpu.memref_slice %arg15[%mul3A_26] : memref<10240xf32, #tpu.memory_space<vmem_shared>> -> memref<1024xf32, #tpu.memory_space<vmem_shared>>
        tpu.wait_dma2 semaphore(%run_scoped3A : memref<!tpu.dma_semaphore, #tpu.memory_space<semaphore_mem>>) src(%dma_wait3A_32 : memref<1024xf32, #tpu.memory_space<vmem_shared>>) dst(%dma_wait3A_31 : memref<1024xf32, #tpu.memory_space<hbm>>)
        tpu.yield
      }) : () -> ()
    } else {
    }
    return
  }
}

module attributes {stable_mosaic.version = 14 : i64} {
  func.func @_dense_tc(%arg0: i32, %arg1: memref<2x1000x128xf32, #tpu.memory_space<vmem>>, %arg2: memref<2x1x1x1000xf32, #tpu.memory_space<vmem>>, %arg3: memref<1x1x1000xi32, #tpu.memory_space<vmem>>, %arg4: memref<128x128xf32, #tpu.memory_space<vmem>>, %arg5: memref<1x128xf32, #tpu.memory_space<vmem>>, %arg6: memref<128x1xf32, #tpu.memory_space<vmem>>, %arg7: memref<1x1xf32, #tpu.memory_space<vmem>>, %arg8: memref<64x1xf32, #tpu.memory_space<vmem>>, %arg9: memref<64x128xf32, #tpu.memory_space<vmem>>, %arg10: memref<64x1xf32, #tpu.memory_space<vmem>>) attributes {dimension_semantics = [#tpu.dimension_semantics<arbitrary>], iteration_bounds = array<i64: 10>, scalar_prefetch = 0 : i64, scratch_operands = 2 : i64, tpu.core_type = #tpu.core_type<tc>, window_params = [{transform_indices = @transform_0, window_bounds = array<i64: 2, 1000, 128>}, {transform_indices = @transform_1, window_bounds = array<i64: 2, 1, 1, 1000>}, {transform_indices = @transform_2, window_bounds = array<i64: 1, 1, 1000>}, {pipeline_mode = #tpu.pipeline_mode<synchronous>, transform_indices = @transform_3, window_bounds = array<i64: 128, 128>}, {pipeline_mode = #tpu.pipeline_mode<synchronous>, transform_indices = @transform_4, window_bounds = array<i64: 1, 128>}, {pipeline_mode = #tpu.pipeline_mode<synchronous>, transform_indices = @transform_5, window_bounds = array<i64: 128, 1>}, {pipeline_mode = #tpu.pipeline_mode<synchronous>, transform_indices = @transform_6, window_bounds = array<i64: 1, 1>}, {pipeline_mode = #tpu.pipeline_mode<synchronous>, transform_indices = @transform_7, window_bounds = array<i64: 64, 1>}]} {
    %eq3A = arith.constant 0 : i32
    %eq3A_0 = arith.cmpi eq, %arg0, %eq3A : i32
    %convert_element_type3A = arith.extui %eq3A_0 : i1 to i32
    %cond3A = arith.constant 0 : i32
    %cond3A_1 = arith.cmpi ne, %convert_element_type3A, %cond3A : i32
    scf.if %cond3A_1 {
      %broadcast_in_dim3A_76 = arith.constant 0.000000e+00 : f32
      %broadcast_in_dim3A_77 = vector.broadcast %broadcast_in_dim3A_76 : f32 to vector<64x128xf32>
      %swap3A_78 = arith.constant 0 : index
      %swap3A_79 = arith.constant 0 : index
      %swap3A_80 = vector.load %arg9[%swap3A_78, %swap3A_79] : memref<64x128xf32, #tpu.memory_space<vmem>>, vector<64x128xf32>
      tpu.vector_store %arg9[%swap3A_78, %swap3A_79], %broadcast_in_dim3A_77 {strides = array<i32>} : memref<64x128xf32, #tpu.memory_space<vmem>>, vector<64x128xf32>,
      %broadcast_in_dim3A_81 = arith.constant 0.000000e+00 : f32
      %broadcast_in_dim3A_82 = vector.broadcast %broadcast_in_dim3A_81 : f32 to vector<64x1xf32>
      %swap3A_83 = arith.constant 0 : index
      %swap3A_84 = arith.constant 0 : index
      %swap3A_85 = vector.load %arg10[%swap3A_83, %swap3A_84] : memref<64x1xf32, #tpu.memory_space<vmem>>, vector<64x1xf32>
      tpu.vector_store %arg10[%swap3A_83, %swap3A_84], %broadcast_in_dim3A_82 {strides = array<i32>} : memref<64x1xf32, #tpu.memory_space<vmem>>, vector<64x1xf32>,
    } else {
    }
    %get3A = arith.constant 0 : index
    %get3A_2 = arith.constant 0 : index
    %get3A_3 = arith.constant 0 : index
    %get3A_4 = vector.load %arg1[%get3A, %get3A_2, %get3A_3] : memref<2x1000x128xf32, #tpu.memory_space<vmem>>, vector<1x1000x128xf32>
    %get3A_5 = vector.shape_cast %get3A_4 : vector<1x1000x128xf32> to vector<1000x128xf32>
    %get3A_6 = arith.constant 1 : index
    %get3A_7 = arith.constant 0 : index
    %get3A_8 = arith.constant 0 : index
    %get3A_9 = vector.load %arg1[%get3A_6, %get3A_7, %get3A_8] : memref<2x1000x128xf32, #tpu.memory_space<vmem>>, vector<1x1000x128xf32>
    %get3A_10 = vector.shape_cast %get3A_9 : vector<1x1000x128xf32> to vector<1000x128xf32>
    %add3A = arith.addf %get3A_5, %get3A_10 : vector<1000x128xf32>
    %get3A_11 = arith.constant 0 : index
    %get3A_12 = arith.constant 0 : index
    %get3A_13 = arith.constant 0 : index
    %get3A_14 = arith.constant 0 : index
    %get3A_15 = vector.load %arg2[%get3A_11, %get3A_12, %get3A_13, %get3A_14] : memref<2x1x1x1000xf32, #tpu.memory_space<vmem>>, vector<1x1x1x1000xf32>
    %get3A_16 = vector.shape_cast %get3A_15 : vector<1x1x1x1000xf32> to vector<1000xf32>
    %get3A_17 = arith.constant 1 : index
    %get3A_18 = arith.constant 0 : index
    %get3A_19 = arith.constant 0 : index
    %get3A_20 = arith.constant 0 : index
    %get3A_21 = vector.load %arg2[%get3A_17, %get3A_18, %get3A_19, %get3A_20] : memref<2x1x1x1000xf32, #tpu.memory_space<vmem>>, vector<1x1x1x1000xf32>
    %get3A_22 = vector.shape_cast %get3A_21 : vector<1x1x1x1000xf32> to vector<1000xf32>
    %add3A_23 = arith.addf %get3A_16, %get3A_22 : vector<1000xf32>
    %max3A = arith.constant 1.000000e+00 : f32
    %max3A_24 = vector.broadcast %max3A : f32 to vector<1000xf32>
    %max3A_25 = arith.maximumf %add3A_23, %max3A_24 : vector<1000xf32>
    %div3A = arith.constant 1.000000e+00 : f32
    %div3A_26 = vector.broadcast %div3A : f32 to vector<1000xf32>
    %div3A_27 = arith.divf %div3A_26, %max3A_25 : vector<1000xf32>
    %broadcast_in_dim3A = vector.shape_cast %div3A_27 : vector<1000xf32> to vector<1000x1xf32>
    %mul3A = vector.broadcast %broadcast_in_dim3A : vector<1000x1xf32> to vector<1000x128xf32>
    %mul3A_28 = arith.mulf %add3A, %mul3A : vector<1000x128xf32>
    %get3A_29 = arith.constant 0 : index
    %get3A_30 = arith.constant 0 : index
    %get3A_31 = vector.load %arg4[%get3A_29, %get3A_30] : memref<128x128xf32, #tpu.memory_space<vmem>>, vector<128x128xf32>
    %dot_general3A = arith.constant dense<0.000000e+00> : vector<1000x128xf32>
    %dot_general3A_32 = tpu.matmul %mul3A_28, %get3A_31, %dot_general3A {dimension_numbers = #tpu.dot_dimension_numbers<[1], [0], [0], [1], [0, 0, 1, 1], [], []>, transpose_lhs_hint = false} : vector<1000x128xf32>, vector<128x128xf32>, vector<1000x128xf32> -> vector<1000x128xf32>
    %get3A_33 = arith.constant 0 : index
    %get3A_34 = arith.constant 0 : index
    %get3A_35 = vector.load %arg5[%get3A_33, %get3A_34] : memref<1x128xf32, #tpu.memory_space<vmem>>, vector<1x128xf32>
    %add3A_36 = vector.broadcast %get3A_35 : vector<1x128xf32> to vector<1000x128xf32>
    %add3A_37 = arith.addf %dot_general3A_32, %add3A_36 : vector<1000x128xf32>
    %max3A_38 = arith.constant 0.000000e+00 : f32
    %max3A_39 = vector.broadcast %max3A_38 : f32 to vector<1000x128xf32>
    %max3A_40 = arith.maximumf %add3A_37, %max3A_39 : vector<1000x128xf32>
    %get3A_41 = arith.constant 0 : index
    %get3A_42 = arith.constant 0 : index
    %get3A_43 = arith.constant 0 : index
    %get3A_44 = vector.load %arg3[%get3A_41, %get3A_42, %get3A_43] : memref<1x1x1000xi32, #tpu.memory_space<vmem>>, vector<1x1x1000xi32>
    %get3A_45 = vector.shape_cast %get3A_44 : vector<1x1x1000xi32> to vector<1000xi32>
    %broadcast_in_dim3A_46 = vector.shape_cast %get3A_45 : vector<1000xi32> to vector<1000x1xi32>
    %iota3A = tpu.iota {dimensions = array<i32: 1>} : vector<1x64xi32>
    %eq3A_47 = vector.broadcast %broadcast_in_dim3A_46 : vector<1000x1xi32> to vector<1000x64xi32>
    %eq3A_48 = vector.broadcast %iota3A : vector<1x64xi32> to vector<1000x64xi32>
    %eq3A_49 = arith.cmpi eq, %eq3A_47, %eq3A_48 : vector<1000x64xi32>
    %convert_element_type3A_50 = arith.extui %eq3A_49 : vector<1000x64xi1> to vector<1000x64xi32>
    %convert_element_type3A_51 = arith.sitofp %convert_element_type3A_50 : vector<1000x64xi32> to vector<1000x64xf32>
    %get3A_52 = arith.constant 0 : index
    %get3A_53 = arith.constant 0 : index
    %get3A_54 = vector.load %arg9[%get3A_52, %get3A_53] : memref<64x128xf32, #tpu.memory_space<vmem>>, vector<64x128xf32>
    %dot_general3A_55 = arith.constant dense<0.000000e+00> : vector<64x128xf32>
    %dot_general3A_56 = tpu.matmul %convert_element_type3A_51, %max3A_40, %dot_general3A_55 {dimension_numbers = #tpu.dot_dimension_numbers<[0], [0], [1], [1], [0, 1, 1, 1], [], []>, transpose_lhs_hint = false} : vector<1000x64xf32>, vector<1000x128xf32>, vector<64x128xf32> -> vector<64x128xf32>
    %add3A_57 = arith.addf %get3A_54, %dot_general3A_56 : vector<64x128xf32>
    %swap3A = arith.constant 0 : index
    %swap3A_58 = arith.constant 0 : index
    %swap3A_59 = vector.load %arg9[%swap3A, %swap3A_58] : memref<64x128xf32, #tpu.memory_space<vmem>>, vector<64x128xf32>
    tpu.vector_store %arg9[%swap3A, %swap3A_58], %add3A_57 {strides = array<i32>} : memref<64x128xf32, #tpu.memory_space<vmem>>, vector<64x128xf32>,
    %get3A_60 = arith.constant 0 : index
    %get3A_61 = arith.constant 0 : index
    %get3A_62 = vector.load %arg10[%get3A_60, %get3A_61] : memref<64x1xf32, #tpu.memory_space<vmem>>, vector<64x1xf32>
    %broadcast_in_dim3A_63 = arith.constant 1.000000e+00 : f32
    %broadcast_in_dim3A_64 = vector.broadcast %broadcast_in_dim3A_63 : f32 to vector<1000x1xf32>
    %dot_general3A_65 = arith.constant dense<0.000000e+00> : vector<64x1xf32>
    %dot_general3A_66 = tpu.matmul %convert_element_type3A_51, %broadcast_in_dim3A_64, %dot_general3A_65 {dimension_numbers = #tpu.dot_dimension_numbers<[0], [0], [1], [1], [0, 1, 1, 1], [], []>, transpose_lhs_hint = false} : vector<1000x64xf32>, vector<1000x1xf32>, vector<64x1xf32> -> vector<64x1xf32>
    %add3A_67 = arith.addf %get3A_62, %dot_general3A_66 : vector<64x1xf32>
    %swap3A_68 = arith.constant 0 : index
    %swap3A_69 = arith.constant 0 : index
    %swap3A_70 = vector.load %arg10[%swap3A_68, %swap3A_69] : memref<64x1xf32, #tpu.memory_space<vmem>>, vector<64x1xf32>
    tpu.vector_store %arg10[%swap3A_68, %swap3A_69], %add3A_67 {strides = array<i32>} : memref<64x1xf32, #tpu.memory_space<vmem>>, vector<64x1xf32>,
    %eq3A_71 = arith.constant 9 : i32
    %eq3A_72 = arith.cmpi eq, %arg0, %eq3A_71 : i32
    %convert_element_type3A_73 = arith.extui %eq3A_72 : i1 to i32
    %cond3A_74 = arith.constant 0 : i32
    %cond3A_75 = arith.cmpi ne, %convert_element_type3A_73, %cond3A_74 : i32
    scf.if %cond3A_75 {
      %get3A_76 = arith.constant 0 : index
      %get3A_77 = arith.constant 0 : index
      %get3A_78 = vector.load %arg9[%get3A_76, %get3A_77] : memref<64x128xf32, #tpu.memory_space<vmem>>, vector<64x128xf32>
      %get3A_79 = arith.constant 0 : index
      %get3A_80 = arith.constant 0 : index
      %get3A_81 = vector.load %arg10[%get3A_79, %get3A_80] : memref<64x1xf32, #tpu.memory_space<vmem>>, vector<64x1xf32>
      %max3A_82 = arith.constant 1.000000e+00 : f32
      %max3A_83 = vector.broadcast %max3A_82 : f32 to vector<64x1xf32>
      %max3A_84 = arith.maximumf %get3A_81, %max3A_83 : vector<64x1xf32>
      %div3A_85 = vector.broadcast %max3A_84 : vector<64x1xf32> to vector<64x128xf32>
      %div3A_86 = arith.divf %get3A_78, %div3A_85 : vector<64x128xf32>
      %get3A_87 = arith.constant 0 : index
      %get3A_88 = arith.constant 0 : index
      %get3A_89 = vector.load %arg6[%get3A_87, %get3A_88] : memref<128x1xf32, #tpu.memory_space<vmem>>, vector<128x1xf32>
      %dot_general3A_90 = arith.constant dense<0.000000e+00> : vector<64x1xf32>
      %dot_general3A_91 = tpu.matmul %div3A_86, %get3A_89, %dot_general3A_90 {dimension_numbers = #tpu.dot_dimension_numbers<[1], [0], [0], [1], [0, 0, 1, 1], [], []>, transpose_lhs_hint = false} : vector<64x128xf32>, vector<128x1xf32>, vector<64x1xf32> -> vector<64x1xf32>
      %get3A_92 = arith.constant 0 : index
      %get3A_93 = arith.constant 0 : index
      %get3A_94 = vector.load %arg7[%get3A_92, %get3A_93] : memref<1x1xf32, #tpu.memory_space<vmem>>, vector<1x1xf32>
      %add3A_95 = vector.broadcast %get3A_94 : vector<1x1xf32> to vector<64x1xf32>
      %add3A_96 = arith.addf %dot_general3A_91, %add3A_95 : vector<64x1xf32>
      %swap3A_97 = arith.constant 0 : index
      %swap3A_98 = arith.constant 0 : index
      %swap3A_99 = vector.load %arg8[%swap3A_97, %swap3A_98] : memref<64x1xf32, #tpu.memory_space<vmem>>, vector<64x1xf32>
      tpu.vector_store %arg8[%swap3A_97, %swap3A_98], %add3A_96 {strides = array<i32>} : memref<64x1xf32, #tpu.memory_space<vmem>>, vector<64x1xf32>,
    } else {
    }
    return
  }
  func.func @transform_0(%arg0: i32) -> (i32, i32, i32) {
    %c0_i32 = arith.constant 0 : i32
    %c0_i32_0 = arith.constant 0 : i32
    %c0_i32_1 = arith.constant 0 : i32
    return %c0_i32, %arg0, %c0_i32_0 : i32, i32, i32
  }
  func.func @transform_1(%arg0: i32) -> (i32, i32, i32, i32) {
    %c0_i32 = arith.constant 0 : i32
    %c0_i32_0 = arith.constant 0 : i32
    %c0_i32_1 = arith.constant 0 : i32
    %c0_i32_2 = arith.constant 0 : i32
    return %c0_i32, %arg0, %c0_i32_0, %c0_i32_1 : i32, i32, i32, i32
  }
  func.func @transform_2(%arg0: i32) -> (i32, i32, i32) {
    %c0_i32 = arith.constant 0 : i32
    %c0_i32_0 = arith.constant 0 : i32
    %c0_i32_1 = arith.constant 0 : i32
    return %arg0, %c0_i32, %c0_i32_0 : i32, i32, i32
  }
  func.func @transform_3(%arg0: i32) -> (i32, i32) {
    %c0_i32 = arith.constant 0 : i32
    %c0_i32_0 = arith.constant 0 : i32
    %c0_i32_1 = arith.constant 0 : i32
    return %c0_i32, %c0_i32_0 : i32, i32
  }
  func.func @transform_4(%arg0: i32) -> (i32, i32) {
    %c0_i32 = arith.constant 0 : i32
    %c0_i32_0 = arith.constant 0 : i32
    %c0_i32_1 = arith.constant 0 : i32
    return %c0_i32, %c0_i32_0 : i32, i32
  }
  func.func @transform_5(%arg0: i32) -> (i32, i32) {
    %c0_i32 = arith.constant 0 : i32
    %c0_i32_0 = arith.constant 0 : i32
    %c0_i32_1 = arith.constant 0 : i32
    return %c0_i32, %c0_i32_0 : i32, i32
  }
  func.func @transform_6(%arg0: i32) -> (i32, i32) {
    %c0_i32 = arith.constant 0 : i32
    %c0_i32_0 = arith.constant 0 : i32
    %c0_i32_1 = arith.constant 0 : i32
    return %c0_i32, %c0_i32_0 : i32, i32
  }
  func.func @transform_7(%arg0: i32) -> (i32, i32) {
    %c0_i32 = arith.constant 0 : i32
    %c0_i32_0 = arith.constant 0 : i32
    %c0_i32_1 = arith.constant 0 : i32
    return %c0_i32, %c0_i32_0 : i32, i32
  }
}

</mosaic_0001>

<sc_bundles>
// kernel: kernel.4.cloned.1.call-start
scs
__scs_entry_jumppad:
0x0: {  	(pc) =	sbr.rel $0x88, $3  }
0x1: {  	(tag) =	ssettag $0x0;
	lr =	simm.s32 $0x1  }
0x2: {  	[smem:$0x3F9A] =	sst lr;
	_ =	strace $0xD0000000  }
0x3: {  	_ = 	snop  }
0x4: {  	_ = 	snop  }
0x5: {  	_ = 	snop  }
0x6: {  	_ = 	snop  }
0x7: {  	_ = 	snop  }
__scs_overlays_trampoline_lowered:
0x8: {  	[smem:$0x3FA9] =	sst s0  }
0x9: {  	[smem:$0x3FAA] =	sst s1  }
0xa: {  	[smem:$0x3FAB] =	sst s2  }
0xb: {  	[smem:$0x3FAC] =	sst s3  }
0xc: {  	[smem:$0x3FAD] =	sst s4  }
0xd: {  	[smem:$0x3FAE] =	sst s5  }
0xe: {  	[smem:$0x3FAF] =	sst s6  }
0xf: {  	[smem:$0x3FB0] =	sst s7  }
0x10: {  	[smem:$0x3FB1] =	sst s8  }
0x11: {  	[smem:$0x3FB2] =	sst s9;
	s0 =	simm.s32 @!p0 $0x0  }
0x12: {  	s1 =	sld [smem:$0x3F98];
	s0 =	simm.s32 @p0 $0x1  }
0x13: {  	[smem:$0x3FB3] =	sst s0;
	s0 =	simm.s32 @!p1 $0x0  }
0x14: {  	s2 =	sld [smem:$0x3F97];
	s0 =	simm.s32 @p1 $0x1  }
0x15: {  	[smem:$0x3FB4] =	sst s0;
	s0 =	simm.s32 @!p2 $0x0  }
0x16: {  	s3 =	sld [smem:$0x3FDB];
	s0 =	simm.s32 @p2 $0x1  }
0x17: {  	s4 =	simm.s32 $0x1BF5;
	[smem:$0x3FB6] =	sst s0  }
0x18: {  	s0 =	sld [smem:$0x3F99];
	_ =	swait.ge [sflag:s4], $0x0  }
0x19: {  	s7 =	sld [smem:$0x3F9A]  }
0x1a: {  	s8 =	sadd.s32 $0xFFFFE003, lr  }
0x1b: {  	s9 =	sadd.s32 $0xFFFFFEF7, lr;
	s5 =	simm.s32 $0xFFFFFFFF;
	p2 =	slt.u32 s8, $0xFFFFF086  }
0x1c: {  	p1 =	slt.u32 s9, $0xF7A;
	s5 =	simm.s32 @!p2 $0x0  }
0x1d: {  	s5 =	simm.s32 @p1 $0x1;
	p0 =	seq.s32 s7, s2  }
0x1e: {  	s7 =	smul.u32 @!p0 $0xF7A, s2;
	p2 =	seq.s32 @!p0 s5, $0x0  }
0x1f: {  	s9 =	smul.u32 $0xF7A, s1;
	s8 =	simm.s32 @!p0 $0x1BF5;
	p2 =	por !p2, p0  }
0x20: {  	[sflag:s8] =	ssyncset.s32 @!p0 $0xFFFFF086;
	s6 =	sadd.s32 @!p0 s3, s7;
	s7 =	simm.s32 @!p0 $0x108  }
0x21: {  	s3 =	sadd.s32 s3, s9;
	s6 =	sadd.s32 @!p0 $0x88, s6;
	s7 =	simm.s32 @p2 $0x1082  }
0x22: {  	[simem:s7], [sflag:s8] =	dma.local @!p0 [hbm:s6], $0xF7A  }
0x23: {  	s9 =	sor.u32 $0xD0000000, s2;
	s6 =	simm.s32 $0x108;
	_ =	swait.ge @!p0 [sflag:s8], $0x0  }
0x24: {  	s3 =	sadd.s32 $0x88, s3;
	s6 =	simm.s32 @!p1 $0x1082;
	[sflag:s4] =	ssyncset.s32 $0xFFFFF086  }
0x25: {  	[simem:s6], [sflag:s4] =	dma.local [hbm:s3], $0xF7A  }
0x26: {  	[smem:$0x3F9A] =	sst s1;
	(tag) =	ssettag s2;
	_ =	strace s9  }
0x27: {  	s1 =	sld [smem:$0x3FAA]  }
0x28: {  	s2 =	sld [smem:$0x3FAB]  }
0x29: {  	s4 =	sld [smem:$0x3FAD]  }
0x2a: {  	p0 =	seq.s32 s5, $0x0;
	s5 =	sld [smem:$0x3FAE]  }
0x2b: {  	s6 =	sld [smem:$0x3FAF]  }
0x2c: {  	s7 =	sld [smem:$0x3FB0]  }
0x2d: {  	s3 =	simm.s32 $0x108;
	s8 =	sld [smem:$0x3FB1]  }
0x2e: {  	s3 =	simm.s32 @!p0 $0x1082;
	s9 =	sld [smem:$0x3FB2]  }
0x2f: {  	lr =	sadd.s32 s0, s3;
	s0 =	sld [smem:$0x3FA9]  }
0x30: {  	s3 =	sld [smem:$0x3FAC]  }
0x31: {  	[smem:$0x3FB5] =	sst s10  }
0x32: {  	s10 =	sld [smem:$0x3FB3];
	_ =	sdelay $0x3  }
0x33: {  	p0 =	seq.s32 s10, $0x1;
	s10 =	sld [smem:$0x3FB5];
	_ =	sdelay $0x3  }
0x34: {  	[smem:$0x3FB5] =	sst s10  }
0x35: {  	s10 =	sld [smem:$0x3FB4];
	_ =	sdelay $0x3  }
0x36: {  	p1 =	seq.s32 s10, $0x1;
	s10 =	sld [smem:$0x3FB5];
	_ =	sdelay $0x3  }
0x37: {  	[smem:$0x3FB5] =	sst s10  }
0x38: {  	s10 =	sld [smem:$0x3FB6]  }
0x39: {  	_ = 	snop;
	(pc) =	sbr.ind lr, $3  }
0x3a: {  	_ = 	snop  }
0x3b: {  	_ = 	snop  }
0x3c: {  	p2 =	seq.s32 s10, $0x1;
	s10 =	sld [smem:$0x3FB5]  }
0x3d: {  	_ =	shalt  }
0x3e: {  	_ =	shalt  }
0x3f: {  	_ =	shalt  }
0x40: {  	_ =	shalt  }
0x41: {  	_ =	shalt  }
0x42: {  	_ =	shalt  }
0x43: {  	_ =	shalt  }
0x44: {  	_ =	shalt  }
0x45: {  	_ =	shalt  }
0x46: {  	_ =	shalt  }
0x47: {  	_ =	shalt  }
0x48: {  	_ =	shalt  }
0x49: {  	_ =	shalt  }
0x4a: {  	_ =	shalt  }
0x4b: {  	_ =	shalt  }
0x4c: {  	_ =	shalt  }
0x4d: {  	_ =	shalt  }
0x4e: {  	_ =	shalt  }
0x4f: {  	_ =	shalt  }
0x50: {  	_ =	shalt  }
0x51: {  	_ =	shalt  }
0x52: {  	_ =	shalt  }
0x53: {  	_ =	shalt  }
0x54: {  	_ =	shalt  }
0x55: {  	_ =	shalt  }
0x56: {  	_ =	shalt  }
0x57: {  	_ =	shalt  }
0x58: {  	_ =	shalt  }
0x59: {  	_ =	shalt  }
0x5a: {  	_ =	shalt  }
0x5b: {  	_ =	shalt  }
0x5c: {  	_ =	shalt  }
0x5d: {  	_ =	shalt  }
0x5e: {  	_ =	shalt  }
0x5f: {  	_ =	shalt  }
0x60: {  	_ =	shalt  }
0x61: {  	_ =	shalt  }
0x62: {  	_ =	shalt  }
0x63: {  	_ =	shalt  }
0x64: {  	_ =	shalt  }
0x65: {  	_ =	shalt  }
0x66: {  	_ =	shalt  }
0x67: {  	_ =	shalt  }
0x68: {  	_ =	shalt  }
0x69: {  	_ =	shalt  }
0x6a: {  	_ =	shalt  }
0x6b: {  	_ =	shalt  }
0x6c: {  	_ =	shalt  }
0x6d: {  	_ =	shalt  }
0x6e: {  	_ =	shalt  }
0x6f: {  	_ =	shalt  }
0x70: {  	_ =	shalt  }
0x71: {  	_ =	shalt  }
0x72: {  	_ =	shalt  }
0x73: {  	_ =	shalt  }
0x74: {  	_ =	shalt  }
0x75: {  	_ =	shalt  }
0x76: {  	_ =	shalt  }
0x77: {  	_ =	shalt  }
0x78: {  	_ =	shalt  }
0x79: {  	_ =	shalt  }
0x7a: {  	_ =	shalt  }
0x7b: {  	_ =	shalt  }
0x7c: {  	_ =	shalt  }
0x7d: {  	_ =	shalt  }
0x7e: {  	_ =	shalt  }
0x7f: {  	_ =	shalt  }
0x80: {  	_ =	shalt  }
0x81: {  	_ =	shalt  }
0x82: {  	_ =	shalt  }
0x83: {  	_ =	shalt  }
0x84: {  	_ =	shalt  }
0x85: {  	_ =	shalt  }
0x86: {  	_ =	shalt  }
0x87: {  	_ =	shalt  }
.Lfunc_end0:
.L_simem_size_0:
called_computation_lowered:
.L_overlay_start_0:
0x88: {  	s2 =	sld [smem:$0x3FD9]  }
0x89: {  	s3 =	sld [smem:$0x3FFE];
	_ =	sdelay $0x1  }
0x8a: {  	s1 =	srdreg.scid  }
0x8b: {  	s0 =	sand.u32 $0x1, s1  }
0x8c: {  	s17 =	sshll.u32 s0, $0xA;
	s2 =	sadd.s32 s3, s2  }
0x8d: {  	s2 =	sadd.s32 s2, s17  }
0x8e: {  	[smem:$0x3FC1] =	sst s2  }
0x8f: {  	_ = 	snop  }
0x90: {  	s2 =	sld [smem:$0x3FC9]  }
0x91: {  	s18 =	sld [smem:$0x3FD0];
	(tm) =	ssettm $0x1  }
0x92: {  	s4 =	sld [smem:$0x3FFB];
	_ =	sdelay $0x3  }
0x93: {  	_ =	strace s4  }
0x94: {  	s4 =	sld [smem:$0x3FFC];
	_ =	sdelay $0x3  }
0x95: {  	_ =	strace s4  }
0x96: {  	s4 =	sld [smem:$0x3FFD];
	_ =	sdelay $0x3  }
0x97: {  	_ =	strace s4  }
0x98: {  	_ =	strace $0x8FFFFFFF  }
0x99: {  	s19 =	sld [smem:$0x3FDB];
	_ =	sdelay $0x1  }
0x9a: {  	s5 =	simm.s32 $_scs_section_size  }
0x9b: {  	s6 =	simm.s32 $_size__tile_overlayer_lowered;
	s7 =	simm.s32 $_tile_overlayer_lowered  }
0x9c: {  	s22 =	simm.s32 $0x1BFF;
	s21 =	sshll.u32 s7, $0x1;
	s4 =	sadd.s32 s5, s19  }
0x9d: {  	s8 =	simm.s32 $0x0;
	s20 =	sshll.u32 s6, $0x1;
	s6 =	sadd.s32 s21, s4  }
0x9e: {  	[timem:s8], [sflag:s22] =	dma.local [hbm:s6], s20  }
0x9f: {  	_ =	swait.ge [sflag:s22], s20  }
0xa0: {  	s5 =	ssub.s32 $0x0, s20;
	[sflag:s22] =	ssyncset.done $0x0  }
0xa1: {  	[sflag:s22] =	ssyncadd.s32 s5;
	_ =	sdelay $0x1  }
0xa2: {  	s23 =	simm.s32 $0x1B8B  }
0xa3: {  	_ =	swait.ge [sflag:s23], $0x1  }
0xa4: {  	[sflag:s23] =	ssyncset.done $0x0  }
0xa5: {  	s25 =	simm.s32 $0x1B8E;
	s24 =	sld [smem:$0x3FFE];
	[sflag:s23] =	ssyncadd.s32 $0xFFFFFFFF  }
0xa6: {  	s26 =	simm.s32 $execute0_lowered;
	[smem:$0x3FD2] =	sst s25  }
0xa7: {  	s6 =	sshll.u32 s26, $0x1;
	_ =	strace $0x80000046;
	[dreg:$0x1] =	wrdreg $0xFFFFFFFF  }
0xa8: {  	s28 =	simm.s32 $_size_execute0_lowered;
	s4 =	sadd.s32 s4, s6;
	[dreg:$0x0] =	wrdreg $0x0  }
0xa9: {  	s6 =	sshll.u32 s28, $0x1;
	[dreg:$0x2] =	wrdreg s4  }
0xaa: {  	[dreg:$0x3] =	wrdreg s6  }
0xab: {  	[dreg:$0x4] =	wrdreg $0xC0  }
0xac: {  	_ =	task [dreg:s8], $0x5FFFF  }
0xad: {  	[dreg:$0x1] =	wrdreg $0xFFFFFFFF  }
0xae: {  	[dreg:$0x0] =	wrdreg $0x60  }
0xaf: {  	[dreg:$0x2] =	wrdreg s2  }
0xb0: {  	[dreg:$0x3] =	wrdreg s24  }
0xb1: {  	[dreg:$0x4] =	wrdreg s18  }
0xb2: {  	[dreg:$0x5] =	wrdreg $0x90800  }
0xb3: {  	[dreg:$0x6] =	wrdreg $0x1CC800  }
0xb4: {  	[dreg:$0x7] =	wrdreg $0x9  }
0xb5: {  	_ =	task.clear_ibuf [dreg:s8], $0x8FFFF;
	_ =	strace $0x90000046  }
0xb6: {  	s29 =	simm.s32 $0x9;
	_ =	strace $0x80000048  }
0xb7: {  	_ =	swait.ge [sflag:s29], $0x1  }
0xb8: {  	[sflag:s29] =	ssyncadd.s32 $0xFFFFFFFF  }
0xb9: {  	_ =	strace $0x90000048  }
0xba: {  	_ =	sfence  }
0xbb: {  	s30 =	sld [smem:$0x0];
	_ =	sdelay $0x2  }
0xbc: {  	s31 =	sshll.u32 s1, $0xD;
	s1 =	sshrl.u32 s1, $0x2  }
0xbd: {  	s3 =	sand.u32 $0x4000, s31;
	s1 =	sadd.s32 s1, s30  }
0xbe: {  	s0 =	sor.u32 s3, s0;
	s1 =	sshll.u32 s1, $0x11  }
0xbf: {  	s0 =	sor.u32 s1, s0  }
0xc0: {  	s0 =	sadd.s32 $0x8F2B, s0  }
0xc1: {  	[sflag:s0] =	ssyncadd.remote.s32 $0x1  }
0xc2: {  	_ =	sfence.sel $0xFFFF  }
0xc3: {  	[dreg:$0x0] =	wrdreg $0xFFFFFFFF;
	(pc) =	sbr.abs _section_cstart, $3  }
0xc4: {  	[dreg:$0x1] =	wrdreg $0xFFFFFFFF  }
0xc5: {  	_ =	task.clear_ibuf [dreg:s8], $0x2FFFF;
	_ =	strace $0x9FFFFFFF  }
0xc6: {  	(tm) =	ssettm $0x7FFFFFFF  }
0xc7: {  	_ =	shalt  }
tec
execute0_lowered:
.L_overlay_start_1:
0x0: {  	(tag) =	ssettag $0x1  }
0x1: {  	s0 =	rddreg [dreg:$0x0];
	s1 =	srdreg.scid  }
0x2: {  	s7 =	rddreg [dreg:$0x1];
	s8 =	sand.u32 $0x1, s1;
	s1 =	stileid.u32  }
0x3: {  	s2 =	rddreg [dreg:$0x2];
	s11 =	smul.u32 $0x280, s1  }
0x4: {  	s4 =	rddreg [dreg:$0x3];
	s12 =	smul.u32 $0x2780, s1  }
0x5: {  	s5 =	rddreg [dreg:$0x4];
	s6 =	simm.s32 $0x0;
	s17 =	smul.u32 $0x4F000, s1  }
0x6: {  	[smem:$0x7FF] =	sst s6;
	s15 =	sadd.s32 $0x3CC00, s7;
	s22 =	smul.u32 $0x138800, s8  }
0x7: {  	s9 =	sshll.u32 s8, $0x4;
	_ =	strace $0x80000047;
	s25 =	smul.u32 $0x13800, s1  }
0x8: {  	s14 =	ssub.s32 $0x2, s8;
	s20 =	smul.u32 $0x4E000, s1;
	s29 =	sshll.u32 s1, $0x8  }
0x9: {  	s30 =	sshll.u32 s1, $0xA;
	p0 =	sne.s32 s1, $0xF;
	s3 =	sor.u32 s1, s9  }
0xa: {  	s16 =	sshrl.u32 s14, $0x1;
	s18 =	sadd.s32 s9, s7;
	p1 =	sgt.u32 @p0 s1, $0x9  }
0xb: {  	s10 =	smul.u32 $0x500, s3;
	s13 =	sshrl.u32 s11, $0x3;
	s12 =	sadd.s32 s12, s7  }
0xc: {  	s14 =	ssub.s32 s14, s16;
	s24 =	sshrl.u32 s17, $0x2;
	s21 =	sadd.s32 s11, s5  }
0xd: {  	s26 =	sadd.s32 s25, s22;
	s28 =	sshrl.u32 s20, $0x2;
	s16 =	sshrl.u32 s22, $0x3  }
0xe: {  	s25 =	sadd.s32 $0x138000, s4;
	s17 =	simm.s32 $0x9000;
	s20 =	simm.s32 $0x80  }
0xf: {  	s22 =	simm.s32 $0x1;
	p1 =	por p1, !p0;
	s13 =	sadd.s32 s13, s7  }
0x10: {  	s19 =	sadd.s32 s24, s4;
	s9 =	sadd.s32 $0x14400, s12;
	s11 =	sshrl.u32 s26, $0x3  }
0x11: {  	s23 =	sadd.s32 s28, s4;
	s12 =	sadd.s32 s29, s18;
	s24 =	sadd.s32 s30, s5  }
0x12: {  	s31 =	sadd.s32 s15, s16;
	s14 =	smax.u32 s14, $0x1;
	s16 =	simm.s32 $0x2800  }
0x13: {  	s25 =	sshrl.u32 @!p0 s25, $0x3;
	s26 =	simm.s32 $0x0;
	s10 =	sadd.s32 s10, s7  }
0x14: {  	s11 =	sadd.s32 s15, s11;
	s12 =	sadd.s32 $0x3C200, s12;
	s15 =	simm.s32 $0x2  }
0x15: {  	s18 =	sshrl.u32 s19, $0x3;
	s19 =	sshrl.u32 s21, $0x3;
	s21 =	simm.s32 $0x5000  }
0x16: {  	s23 =	sshrl.u32 s23, $0x3;
	s24 =	sshrl.u32 @!p1 s24, $0x3;
	s7 =	sadd.s32 $0x400, s10  }
0x17: {  	s8 =	sadd.s32 $0xA400, s10;
	s10 =	sadd.s32 $0x3BC00, s13;
	s13 =	sadd.s32 $0x27000, s31  }
.LBB2_1:
0x18: {  	[tilespmem:s6], [sflag:$0x2] =	stream.linear.gather [hbm4b:s7+s6], $0x2780, $0x38;
	[tilespmem:$0x1CF00] =	vst v63  }
0x19: {  	_ =	swait.ge [sflag:s15], $0x2780  }
0x1a: {  	[sflag:s15] =	ssyncset.done $0x0  }
0x1b: {  	[sflag:s15] =	ssyncadd.s32 $0xFFFFD880  }
0x1c: {  	[tilespmem:s16], [sflag:$0x2] =	stream.linear.gather [hbm4b:s8+s6], $0x2780, $0x38;
	[tilespmem:$0x1CF00] =	vst v63  }
0x1d: {  	_ =	swait.ge [sflag:s15], $0x2780  }
0x1e: {  	[sflag:s15] =	ssyncset.done $0x0  }
0x1f: {  	[sflag:s15] =	ssyncadd.s32 $0xFFFFD880  }
0x20: {  	[tilespmem:s17], [sflag:$0x2] =	stream.linear.gather [hbm4b:s2+s6], $0x80, $0x38;
	[tilespmem:$0x1CF00] =	vst v63  }
0x21: {  	_ =	swait.ge [sflag:s15], $0x80  }
0x22: {  	s28 =	sshll.u32 s1, $0x6;
	[sflag:s15] =	ssyncset.done $0x0  }
0x23: {  	s28 =	sor.u32 $0x1C02, s28;
	[sflag:s15] =	ssyncadd.s32 $0xFFFFFF80  }
0x24: {  	[spmem:s18], [sflag:s28] =	dma.local [hbm:s9], $0x2780  }
0x25: {  	_ =	swait.ge [sflag:s15], $0x2780  }
0x26: {  	[sflag:s15] =	ssyncset.done $0x0  }
0x27: {  	[sflag:s15] =	ssyncadd.s32 $0xFFFFD880  }
0x28: {  	[spmem:s19], [sflag:s28] =	dma.local [hbm:s10], $0x50  }
0x29: {  	_ =	swait.ge [sflag:s15], $0x50  }
0x2a: {  	[sflag:s15] =	ssyncset.done $0x0  }
0x2b: {  	[sflag:s15] =	ssyncadd.s32 $0xFFFFFFB0  }
0x2c: {  	s29 =	simm.s32 $0x0;
	[bflag:$0x0] =	sbarrier.arrive $0xFFFF  }
0x2d: {  	[tilespmem:s21], [sflag:$0x1] =	stream.indirect.gather [hbm4b:s0+s20], $0x80, s29, s20, $0xb8;
	[tilespmem:$0x1CF00] =	vst v63  }
0x2e: {  	_ =	swait.ge [sflag:s22], $0x4000  }
0x2f: {  	[sflag:s22] =	ssyncset.done $0x0  }
0x30: {  	s29 =	simm.s32 $0x2800;
	[sflag:s22] =	ssyncadd.s32 $0xFFFFC000  }
0x31: {  	[spmem:s4] =	stream.indirect.scatter.add.f32 [tilespmem:s21], [sflag:$0x2], $0x80, s29, s20, $0xb8;
	[tilespmem:$0x1CF00] =	vst v63  }
0x32: {  	_ =	swait.ge [sflag:s15], $0x4000  }
0x33: {  	[sflag:s15] =	ssyncset.done $0x0  }
0x34: {  	[sflag:s15] =	ssyncadd.s32 $0xFFFFC000  }
0x35: {  	[spmem:s5] =	stream.indirect.scatter.add.f32 [tilespmem:s17], [sflag:$0x2], $0x1, s29, s20, $0xb8;
	[tilespmem:$0x1CF00] =	vst v63  }
0x36: {  	_ =	swait.ge [sflag:s15], $0x80  }
0x37: {  	s30 =	simm.s32 $0x400;
	s29 =	simm.s32 $0x200;
	[sflag:s15] =	ssyncset.done $0x0  }
.LBB2_2:
0x38: {  	s31 =	sshra.s32 s29, $0x2  }
0x39: {  	[sflag:s15] =	ssyncadd.s32 $0xFFFFFF80;
	s29 =	smov.u32 s30;
	s3 =	sadd.s32 $0x200, s30  }
0x3a: {  	[tilespmem:s21], [sflag:$0x1] =	stream.indirect.gather [hbm4b:s0+s20], $0x80, s31, s20, $0xb8;
	[tilespmem:$0x1CF00] =	vst v63  }
0x3b: {  	p2 =	sne.s32 s30, $0x9C00;
	_ =	swait.ge [sflag:s22], $0x4000  }
0x3c: {  	[sflag:s22] =	ssyncset.done $0x0  }
0x3d: {  	s30 =	sadd.s32 $0x2800, s31;
	[sflag:s22] =	ssyncadd.s32 $0xFFFFC000  }
0x3e: {  	[spmem:s4] =	stream.indirect.scatter.add.f32 [tilespmem:s21], [sflag:$0x2], $0x80, s30, s20, $0xb8;
	[tilespmem:$0x1CF00] =	vst v63  }
0x3f: {  	_ =	swait.ge [sflag:s15], $0x4000  }
.Ltmp0:
0x40: {  	[sflag:s15] =	ssyncset.done $0x0;
	(pc) =	sbr.rel @p2 .LBB2_2-.Ltmp0, $4  }
0x41: {  	[sflag:s15] =	ssyncadd.s32 $0xFFFFC000  }
0x42: {  	[spmem:s5] =	stream.indirect.scatter.add.f32 [tilespmem:s17], [sflag:$0x2], $0x1, s30, s20, $0xb8;
	[tilespmem:$0x1CF00] =	vst v63  }
0x43: {  	_ =	swait.ge [sflag:s15], $0x80  }
0x44: {  	s30 =	smov.u32 s3;
	[sflag:s15] =	ssyncset.done $0x0  }
0x45: {  	s3 =	sshra.s32 s29, $0x2;
	[sflag:s15] =	ssyncadd.s32 $0xFFFFFF80  }
0x46: {  	[tilespmem:s21], [sflag:$0x1] =	stream.indirect.gather [hbm4b:s0+s20], $0x80, s3, s20, $0xb8;
	[tilespmem:$0x1CF00] =	vst v63  }
0x47: {  	_ =	swait.ge [sflag:s22], $0x4000  }
0x48: {  	[sflag:s22] =	ssyncset.done $0x0  }
0x49: {  	s3 =	sadd.s32 $0x2800, s3;
	[sflag:s22] =	ssyncadd.s32 $0xFFFFC000  }
0x4a: {  	[spmem:s4] =	stream.indirect.scatter.add.f32 [tilespmem:s21], [sflag:$0x2], $0x80, s3, s20, $0xb8;
	[tilespmem:$0x1CF00] =	vst v63  }
0x4b: {  	_ =	swait.ge [sflag:s15], $0x4000  }
0x4c: {  	[sflag:s15] =	ssyncset.done $0x0  }
0x4d: {  	[sflag:s15] =	ssyncadd.s32 $0xFFFFC000  }
0x4e: {  	[spmem:s5] =	stream.indirect.scatter.add.f32 [tilespmem:s17], [sflag:$0x2], $0x1, s3, s20, $0xb8;
	[tilespmem:$0x1CF00] =	vst v63  }
0x4f: {  	_ =	swait.ge [sflag:s15], $0x80  }
0x50: {  	[sflag:s15] =	ssyncset.done $0x0  }
0x51: {  	[sflag:s15] =	ssyncadd.s32 $0xFFFFFF80  }
0x52: {  	[bflag:$0x0] =	sbarrier.arrive $0xFFFF  }
0x53: {  	[hbm:s11], [sflag:s28] =	dma.local [spmem:s23], $0x2700  }
0x54: {  	_ =	swait.ge [sflag:s15], $0x2700  }
0x55: {  	s29 =	simm.s32 @!p1 $0x20;
	[sflag:s15] =	ssyncset.done $0x0  }
0x56: {  	s30 =	simm.s32 @!p1 $0x10;
	s3 =	simm.s32 @!p1 $0x1;
	[sflag:s15] =	ssyncadd.s32 $0xFFFFD900  }
0x57: {  	[hbm:s12@s29], [sflag:s28] =	dma.strided @!p1 [spmem:s24@s30], $0x80, s3, $0x10   }
0x58: {  	s3 =	simm.s32 @!p1 $0x2  }
0x59: {  	s26 =	sadd.s32 $0x1, s26;
	_ =	swait.ge @!p1 [sflag:s3], $0x80  }
0x5a: {  	p2 =	sne.s32 s26, s14;
	[sflag:s3] =	ssyncset.done @!p1 $0x0  }
.Ltmp1:
0x5b: {  	[sflag:s3] =	ssyncadd.s32 @!p1 $0xFFFFFF80;
	s3 =	simm.s32 @!p0 $0x2;
	(pc) =	sbr.rel @p2 .LBB2_1-.Ltmp1, $4  }
0x5c: {  	[hbm:s13], [sflag:s28] =	dma.local @!p0 [spmem:s25], $0x100  }
0x5d: {  	_ =	swait.ge @!p0 [sflag:s3], $0x100  }
0x5e: {  	[sflag:s3] =	ssyncset.done @!p0 $0x0  }
0x5f: {  	[sflag:s3] =	ssyncadd.s32 @!p0 $0xFFFFFF00  }
0x60: {  	_ =	sfence.sel $0x180000  }
0x61: {  	[bflag:$0x0] =	sbarrier.arrive $0xFFFF  }
0x62: {  	_ =	strace $0x90000047  }
0x63: {  	[bflag:$0x2] =	sbarrier.arrive $0xFFFF  }
0x64: {  	p0 =	sne.s32 s1, $0x0;
	s0 =	rddreg [dreg:$0x5]  }
0x65: {  	s0 =	sadd.s32 @!p0 $0x100000, s0  }
0x66: {  	[sflag:s0] =	ssyncadd.tile.s32 @!p0 $0x1;
	_ =	shalt  }
.Lfunc_end2:
_tile_overlayer_lowered:
.L_overlay_start_2:
0x67: {  	(tag) =	ssettag $0x2  }
0x68: {  	s0 =	rddreg [dreg:$0x0];
	s2 =	stileid.u32  }
0x69: {  	s1 =	rddreg [dreg:$0x1];
	p0 =	sne.s32 s2, $0x0  }
0x6a: {  	s3 =	rddreg [dreg:$0x2];
	[bflag:$0x3] =	sbarrier.arrive $0xFFFF;
	s2 =	simm.s32 @!p0 $0x1C02  }
0x6b: {  	[timem:s3], [sflag:s2] =	dma.local @!p0 [hbm:s0], s1  }
0x6c: {  	s0 =	simm.s32 @!p0 $0x2  }
0x6d: {  	_ =	swait.ge @!p0 [sflag:s0], s1  }
0x6e: {  	s1 =	ssub.s32 @!p0 $0x0, s1;
	[sflag:s0] =	ssyncset.done @!p0 $0x0  }
0x6f: {  	[sflag:s0] =	ssyncadd.s32 @!p0 s1  }
0x70: {  	[bflag:$0x3] =	sbarrier.arrive $0xFFFF  }
0x71: {  	_ =	shalt  }

</sc_bundles>
